<compile_context>
chip_gen: v7x
topology: tpu7x:2x2x1
jax: 0.10.2.dev20260603
libtpu: 0.0.44.dev20260713+nightly
codegen_flags: <defaults>
</compile_context>

<pallas_src>
import functools

import jax
import jax.numpy as jnp
from jax import lax
from jax.experimental import pallas as pl
from jax.experimental.pallas import tpu as pltpu
from jax.experimental.pallas import tpu_sc as plsc

NC = 2
NS = 16
NW = NC * NS

V = 1000000
BATCH = 4096
L = 50
D = 32
COLS = BATCH // NW
L_C = 10
N_CHUNK = L // L_C


def _make_lookup():
    mesh = plsc.VectorSubcoreMesh(core_axis_name="c", subcore_axis_name="s")

    @functools.partial(
        pl.kernel,
        mesh=mesh,
        compiler_params=pltpu.CompilerParams(use_tc_tiling_on_sc=False),
        out_type=jax.ShapeDtypeStruct((L, BATCH, D), jnp.float32),
        scratch_types=[
            pltpu.VMEM((L_C, COLS), jnp.int32),
            pltpu.VMEM((L_C, COLS, D), jnp.float32),
            pltpu.SemaphoreType.DMA,
        ],
    )
    def lookup(table_hbm, idx_hbm, out_hbm, idx_v, rows_v, sem):
        w = lax.axis_index("s") * NC + lax.axis_index("c")
        col0 = w * COLS

        def chunk_body(c, carry):
            l0 = c * L_C
            pltpu.sync_copy(
                idx_hbm.at[pl.ds(l0, L_C), pl.ds(col0, COLS)], idx_v
            )
            gathers = [
                pltpu.async_copy(
                    table_hbm.at[idx_v.at[li]], rows_v.at[li], sem
                )
                for li in range(L_C)
            ]
            for h in gathers:
                h.wait()
            pltpu.sync_copy(
                rows_v, out_hbm.at[pl.ds(l0, L_C), pl.ds(col0, COLS)]
            )
            return carry

        lax.fori_loop(0, N_CHUNK, chunk_body, 0)

    return lookup


_lookup = _make_lookup()


@jax.jit
def kernel(inputs, embeddings):
    tflat = lax.optimization_barrier(embeddings.reshape(-1))
    out3 = _lookup(tflat.reshape(V, D), inputs.T.astype(jnp.int32))
    return out3.transpose(1, 0, 2)

# --- scband reference (transcript-rebuilt; emitter-appended) ---
"""Pipeline reference for scband-custom-embedding-57303453663819 (READ-ONLY COPY).

The authoritative reference and input builder live on the scoring server;
editing this copy changes nothing except your own understanding.
"""

import jax, jax.numpy as jnp
import numpy as np

INPUT_DIM = 1000000
OUTPUT_DIM = 32
BATCH = 4096
INPUT_LENGTH = 50

def setup_inputs(seed: int = 0) -> dict:
    key = jax.random.key(seed)
    k1, k2 = jax.random.split(key)
    inputs = jax.random.randint(k1, (BATCH, INPUT_LENGTH), 0, INPUT_DIM, dtype=jnp.int64 if jax.config.jax_enable_x64 else jnp.int32)
    # Keras 'uniform' initializer defaults to uniform(-0.05, 0.05)
    embeddings = jax.random.uniform(k2, (INPUT_DIM, OUTPUT_DIM), dtype=jnp.float32, minval=-0.05, maxval=0.05)
    return {"inputs": inputs, "embeddings": embeddings}

def reference(inputs, embeddings):
    # tf.nn.embedding_lookup(embeddings, inputs) == gather rows
    return jnp.take(embeddings, inputs, axis=0)

if __name__ == "__main__":
    import jax
    _d = setup_inputs()
    print(jax.jit(kernel)(*tuple(_d.values())))

</pallas_src>

<mosaic_0001>
#map = affine_map<(d0, d1) -> (0, 0)>
#map1 = affine_map<(d0, d1) -> (0, 0, 0)>
module attributes {stable_mosaic.version = 14 : i64} {
  func.func @lookup(%arg0: i32, %arg1: i32, %arg2: memref<1000000x32xf32, #tpu.memory_space<hbm>>, %arg3: memref<50x4096xi32, #tpu.memory_space<hbm>>, %arg4: memref<50x4096x32xf32, #tpu.memory_space<hbm>>, %arg5: memref<10x128xi32, #tpu.memory_space<vmem>>, %arg6: memref<10x128x32xf32, #tpu.memory_space<vmem>>, %arg7: memref<!tpu.dma_semaphore, #tpu.memory_space<semaphore_mem>>) attributes {dimension_semantics = [#tpu.dimension_semantics<core_parallel>, #tpu.dimension_semantics<subcore_parallel>], iteration_bounds = array<i64: 2, 16>, scalar_prefetch = 0 : i64, scratch_operands = 3 : i64, tpu.core_type = #tpu.core_type<sc_vector_subcore>, window_params = [{transform_indices = #map}, {transform_indices = #map}, {transform_indices = #map1}]} {
    %mul3A = arith.constant 2 : i32
    %mul3A_0 = arith.muli %arg1, %mul3A : i32
    %add3A = arith.addi %mul3A_0, %arg0 : i32
    %mul3A_1 = arith.constant 128 : i32
    %mul3A_2 = arith.muli %add3A, %mul3A_1 : i32
    %scan3A = arith.constant 0 : i32
    %scan3A_3 = arith.constant 0 : i32
    %scan3A_4 = arith.constant 5 : i32
    %scan3A_5 = arith.addi %scan3A_3, %scan3A_4 : i32
    %scan3A_6 = arith.constant 1 : i32
    scf.for %scan3A_8 = %scan3A_3 to %scan3A_5 step %scan3A_6  : i32 {
      %mul3A_9 = arith.constant 10 : i32
      %mul3A_10 = arith.muli %scan3A_8, %mul3A_9 : i32
      "tpu.region"() ({
        %run_scoped3A = tpu.sem_alloc : memref<!tpu.dma_semaphore, #tpu.memory_space<semaphore_mem>>
        %dma_start3A_249 = tpu.memref_slice %arg3[%mul3A_10, %mul3A_2] : memref<50x4096xi32, #tpu.memory_space<hbm>> -> memref<10x128xi32, #tpu.memory_space<hbm>>
        %dma_start3A_250 = tpu.memref_slice %arg3[%mul3A_10, %mul3A_2] : memref<50x4096xi32, #tpu.memory_space<hbm>> -> memref<10x128xi32, #tpu.memory_space<hbm>>
        tpu.enqueue_dma source(%dma_start3A_250 : memref<10x128xi32, #tpu.memory_space<hbm>>) target(%arg5 : memref<10x128xi32, #tpu.memory_space<vmem>>) target_semaphore(%run_scoped3A : memref<!tpu.dma_semaphore, #tpu.memory_space<semaphore_mem>>)
        %dma_wait3A_251 = tpu.memref_slice %arg3[%mul3A_10, %mul3A_2] : memref<50x4096xi32, #tpu.memory_space<hbm>> -> memref<10x128xi32, #tpu.memory_space<hbm>>
        %dma_wait3A_252 = tpu.memref_slice %arg3[%mul3A_10, %mul3A_2] : memref<50x4096xi32, #tpu.memory_space<hbm>> -> memref<10x128xi32, #tpu.memory_space<hbm>>
        tpu.wait_dma2 semaphore(%run_scoped3A : memref<!tpu.dma_semaphore, #tpu.memory_space<semaphore_mem>>) src(%dma_wait3A_252 : memref<10x128xi32, #tpu.memory_space<hbm>>) dst(%arg5 : memref<10x128xi32, #tpu.memory_space<vmem>>)
        tpu.yield
      }) : () -> ()
      %dma_start3A = arith.constant 0 : i32
      %dma_start3A_11 = arith.constant 0 : i32
      %dma_start3A_12 = arith.constant 0 : i32
      %dma_start3A_13 = arith.constant 0 : i32
      %dma_start3A_14 = tpu.memref_slice %arg6[%dma_start3A_11, %dma_start3A_12, %dma_start3A_13] : memref<10x128x32xf32, #tpu.memory_space<vmem>> -> memref<1x128x32xf32, #tpu.memory_space<vmem>>
      %dma_start3A_15 = tpu.memref_squeeze %dma_start3A_14 : memref<1x128x32xf32, #tpu.memory_space<vmem>> -> memref<128x32xf32, #tpu.memory_space<vmem>>
      %dma_start3A_16 = arith.constant 0 : i32
      %dma_start3A_17 = tpu.memref_slice %arg5[%dma_start3A, %dma_start3A_16] : memref<10x128xi32, #tpu.memory_space<vmem>> -> memref<1x128xi32, #tpu.memory_space<vmem>>
      %dma_start3A_18 = tpu.memref_squeeze %dma_start3A_17 : memref<1x128xi32, #tpu.memory_space<vmem>> -> memref<128xi32, #tpu.memory_space<vmem>>
      %dma_start3A_19 = arith.constant 0 : i32
      %dma_start3A_20 = arith.constant 0 : i32
      %dma_start3A_21 = tpu.memref_slice %arg2[%dma_start3A_19, %dma_start3A_20] : memref<1000000x32xf32, #tpu.memory_space<hbm>> -> memref<1000000x32xf32, #tpu.memory_space<hbm>>
      tpu.enqueue_indirect_dma source(%dma_start3A_21 : memref<1000000x32xf32, #tpu.memory_space<hbm>>) target(%dma_start3A_15 : memref<128x32xf32, #tpu.memory_space<vmem>>) offsets(%dma_start3A_18 : memref<128xi32, #tpu.memory_space<vmem>>) semaphore(%arg7 : memref<!tpu.dma_semaphore, #tpu.memory_space<semaphore_mem>>)
      %dma_start3A_22 = arith.constant 1 : i32
      %dma_start3A_23 = arith.constant 1 : i32
      %dma_start3A_24 = arith.constant 0 : i32
      %dma_start3A_25 = arith.constant 0 : i32
      %dma_start3A_26 = tpu.memref_slice %arg6[%dma_start3A_23, %dma_start3A_24, %dma_start3A_25] : memref<10x128x32xf32, #tpu.memory_space<vmem>> -> memref<1x128x32xf32, #tpu.memory_space<vmem>>
      %dma_start3A_27 = tpu.memref_squeeze %dma_start3A_26 : memref<1x128x32xf32, #tpu.memory_space<vmem>> -> memref<128x32xf32, #tpu.memory_space<vmem>>
      %dma_start3A_28 = arith.constant 0 : i32
      %dma_start3A_29 = tpu.memref_slice %arg5[%dma_start3A_22, %dma_start3A_28] : memref<10x128xi32, #tpu.memory_space<vmem>> -> memref<1x128xi32, #tpu.memory_space<vmem>>
      %dma_start3A_30 = tpu.memref_squeeze %dma_start3A_29 : memref<1x128xi32, #tpu.memory_space<vmem>> -> memref<128xi32, #tpu.memory_space<vmem>>
      %dma_start3A_31 = arith.constant 0 : i32
      %dma_start3A_32 = arith.constant 0 : i32
      %dma_start3A_33 = tpu.memref_slice %arg2[%dma_start3A_31, %dma_start3A_32] : memref<1000000x32xf32, #tpu.memory_space<hbm>> -> memref<1000000x32xf32, #tpu.memory_space<hbm>>
      tpu.enqueue_indirect_dma source(%dma_start3A_33 : memref<1000000x32xf32, #tpu.memory_space<hbm>>) target(%dma_start3A_27 : memref<128x32xf32, #tpu.memory_space<vmem>>) offsets(%dma_start3A_30 : memref<128xi32, #tpu.memory_space<vmem>>) semaphore(%arg7 : memref<!tpu.dma_semaphore, #tpu.memory_space<semaphore_mem>>)
      %dma_start3A_34 = arith.constant 2 : i32
      %dma_start3A_35 = arith.constant 2 : i32
      %dma_start3A_36 = arith.constant 0 : i32
      %dma_start3A_37 = arith.constant 0 : i32
      %dma_start3A_38 = tpu.memref_slice %arg6[%dma_start3A_35, %dma_start3A_36, %dma_start3A_37] : memref<10x128x32xf32, #tpu.memory_space<vmem>> -> memref<1x128x32xf32, #tpu.memory_space<vmem>>
      %dma_start3A_39 = tpu.memref_squeeze %dma_start3A_38 : memref<1x128x32xf32, #tpu.memory_space<vmem>> -> memref<128x32xf32, #tpu.memory_space<vmem>>
      %dma_start3A_40 = arith.constant 0 : i32
      %dma_start3A_41 = tpu.memref_slice %arg5[%dma_start3A_34, %dma_start3A_40] : memref<10x128xi32, #tpu.memory_space<vmem>> -> memref<1x128xi32, #tpu.memory_space<vmem>>
      %dma_start3A_42 = tpu.memref_squeeze %dma_start3A_41 : memref<1x128xi32, #tpu.memory_space<vmem>> -> memref<128xi32, #tpu.memory_space<vmem>>
      %dma_start3A_43 = arith.constant 0 : i32
      %dma_start3A_44 = arith.constant 0 : i32
      %dma_start3A_45 = tpu.memref_slice %arg2[%dma_start3A_43, %dma_start3A_44] : memref<1000000x32xf32, #tpu.memory_space<hbm>> -> memref<1000000x32xf32, #tpu.memory_space<hbm>>
      tpu.enqueue_indirect_dma source(%dma_start3A_45 : memref<1000000x32xf32, #tpu.memory_space<hbm>>) target(%dma_start3A_39 : memref<128x32xf32, #tpu.memory_space<vmem>>) offsets(%dma_start3A_42 : memref<128xi32, #tpu.memory_space<vmem>>) semaphore(%arg7 : memref<!tpu.dma_semaphore, #tpu.memory_space<semaphore_mem>>)
      %dma_start3A_46 = arith.constant 3 : i32
      %dma_start3A_47 = arith.constant 3 : i32
      %dma_start3A_48 = arith.constant 0 : i32
      %dma_start3A_49 = arith.constant 0 : i32
      %dma_start3A_50 = tpu.memref_slice %arg6[%dma_start3A_47, %dma_start3A_48, %dma_start3A_49] : memref<10x128x32xf32, #tpu.memory_space<vmem>> -> memref<1x128x32xf32, #tpu.memory_space<vmem>>
      %dma_start3A_51 = tpu.memref_squeeze %dma_start3A_50 : memref<1x128x32xf32, #tpu.memory_space<vmem>> -> memref<128x32xf32, #tpu.memory_space<vmem>>
      %dma_start3A_52 = arith.constant 0 : i32
      %dma_start3A_53 = tpu.memref_slice %arg5[%dma_start3A_46, %dma_start3A_52] : memref<10x128xi32, #tpu.memory_space<vmem>> -> memref<1x128xi32, #tpu.memory_space<vmem>>
      %dma_start3A_54 = tpu.memref_squeeze %dma_start3A_53 : memref<1x128xi32, #tpu.memory_space<vmem>> -> memref<128xi32, #tpu.memory_space<vmem>>
      %dma_start3A_55 = arith.constant 0 : i32
      %dma_start3A_56 = arith.constant 0 : i32
      %dma_start3A_57 = tpu.memref_slice %arg2[%dma_start3A_55, %dma_start3A_56] : memref<1000000x32xf32, #tpu.memory_space<hbm>> -> memref<1000000x32xf32, #tpu.memory_space<hbm>>
      tpu.enqueue_indirect_dma source(%dma_start3A_57 : memref<1000000x32xf32, #tpu.memory_space<hbm>>) target(%dma_start3A_51 : memref<128x32xf32, #tpu.memory_space<vmem>>) offsets(%dma_start3A_54 : memref<128xi32, #tpu.memory_space<vmem>>) semaphore(%arg7 : memref<!tpu.dma_semaphore, #tpu.memory_space<semaphore_mem>>)
      %dma_start3A_58 = arith.constant 4 : i32
      %dma_start3A_59 = arith.constant 4 : i32
      %dma_start3A_60 = arith.constant 0 : i32
      %dma_start3A_61 = arith.constant 0 : i32
      %dma_start3A_62 = tpu.memref_slice %arg6[%dma_start3A_59, %dma_start3A_60, %dma_start3A_61] : memref<10x128x32xf32, #tpu.memory_space<vmem>> -> memref<1x128x32xf32, #tpu.memory_space<vmem>>
      %dma_start3A_63 = tpu.memref_squeeze %dma_start3A_62 : memref<1x128x32xf32, #tpu.memory_space<vmem>> -> memref<128x32xf32, #tpu.memory_space<vmem>>
      %dma_start3A_64 = arith.constant 0 : i32
      %dma_start3A_65 = tpu.memref_slice %arg5[%dma_start3A_58, %dma_start3A_64] : memref<10x128xi32, #tpu.memory_space<vmem>> -> memref<1x128xi32, #tpu.memory_space<vmem>>
      %dma_start3A_66 = tpu.memref_squeeze %dma_start3A_65 : memref<1x128xi32, #tpu.memory_space<vmem>> -> memref<128xi32, #tpu.memory_space<vmem>>
      %dma_start3A_67 = arith.constant 0 : i32
      %dma_start3A_68 = arith.constant 0 : i32
      %dma_start3A_69 = tpu.memref_slice %arg2[%dma_start3A_67, %dma_start3A_68] : memref<1000000x32xf32, #tpu.memory_space<hbm>> -> memref<1000000x32xf32, #tpu.memory_space<hbm>>
      tpu.enqueue_indirect_dma source(%dma_start3A_69 : memref<1000000x32xf32, #tpu.memory_space<hbm>>) target(%dma_start3A_63 : memref<128x32xf32, #tpu.memory_space<vmem>>) offsets(%dma_start3A_66 : memref<128xi32, #tpu.memory_space<vmem>>) semaphore(%arg7 : memref<!tpu.dma_semaphore, #tpu.memory_space<semaphore_mem>>)
      %dma_start3A_70 = arith.constant 5 : i32
      %dma_start3A_71 = arith.constant 5 : i32
      %dma_start3A_72 = arith.constant 0 : i32
      %dma_start3A_73 = arith.constant 0 : i32
      %dma_start3A_74 = tpu.memref_slice %arg6[%dma_start3A_71, %dma_start3A_72, %dma_start3A_73] : memref<10x128x32xf32, #tpu.memory_space<vmem>> -> memref<1x128x32xf32, #tpu.memory_space<vmem>>
      %dma_start3A_75 = tpu.memref_squeeze %dma_start3A_74 : memref<1x128x32xf32, #tpu.memory_space<vmem>> -> memref<128x32xf32, #tpu.memory_space<vmem>>
      %dma_start3A_76 = arith.constant 0 : i32
      %dma_start3A_77 = tpu.memref_slice %arg5[%dma_start3A_70, %dma_start3A_76] : memref<10x128xi32, #tpu.memory_space<vmem>> -> memref<1x128xi32, #tpu.memory_space<vmem>>
      %dma_start3A_78 = tpu.memref_squeeze %dma_start3A_77 : memref<1x128xi32, #tpu.memory_space<vmem>> -> memref<128xi32, #tpu.memory_space<vmem>>
      %dma_start3A_79 = arith.constant 0 : i32
      %dma_start3A_80 = arith.constant 0 : i32
      %dma_start3A_81 = tpu.memref_slice %arg2[%dma_start3A_79, %dma_start3A_80] : memref<1000000x32xf32, #tpu.memory_space<hbm>> -> memref<1000000x32xf32, #tpu.memory_space<hbm>>
      tpu.enqueue_indirect_dma source(%dma_start3A_81 : memref<1000000x32xf32, #tpu.memory_space<hbm>>) target(%dma_start3A_75 : memref<128x32xf32, #tpu.memory_space<vmem>>) offsets(%dma_start3A_78 : memref<128xi32, #tpu.memory_space<vmem>>) semaphore(%arg7 : memref<!tpu.dma_semaphore, #tpu.memory_space<semaphore_mem>>)
      %dma_start3A_82 = arith.constant 6 : i32
      %dma_start3A_83 = arith.constant 6 : i32
      %dma_start3A_84 = arith.constant 0 : i32
      %dma_start3A_85 = arith.constant 0 : i32
      %dma_start3A_86 = tpu.memref_slice %arg6[%dma_start3A_83, %dma_start3A_84, %dma_start3A_85] : memref<10x128x32xf32, #tpu.memory_space<vmem>> -> memref<1x128x32xf32, #tpu.memory_space<vmem>>
      %dma_start3A_87 = tpu.memref_squeeze %dma_start3A_86 : memref<1x128x32xf32, #tpu.memory_space<vmem>> -> memref<128x32xf32, #tpu.memory_space<vmem>>
      %dma_start3A_88 = arith.constant 0 : i32
      %dma_start3A_89 = tpu.memref_slice %arg5[%dma_start3A_82, %dma_start3A_88] : memref<10x128xi32, #tpu.memory_space<vmem>> -> memref<1x128xi32, #tpu.memory_space<vmem>>
      %dma_start3A_90 = tpu.memref_squeeze %dma_start3A_89 : memref<1x128xi32, #tpu.memory_space<vmem>> -> memref<128xi32, #tpu.memory_space<vmem>>
      %dma_start3A_91 = arith.constant 0 : i32
      %dma_start3A_92 = arith.constant 0 : i32
      %dma_start3A_93 = tpu.memref_slice %arg2[%dma_start3A_91, %dma_start3A_92] : memref<1000000x32xf32, #tpu.memory_space<hbm>> -> memref<1000000x32xf32, #tpu.memory_space<hbm>>
      tpu.enqueue_indirect_dma source(%dma_start3A_93 : memref<1000000x32xf32, #tpu.memory_space<hbm>>) target(%dma_start3A_87 : memref<128x32xf32, #tpu.memory_space<vmem>>) offsets(%dma_start3A_90 : memref<128xi32, #tpu.memory_space<vmem>>) semaphore(%arg7 : memref<!tpu.dma_semaphore, #tpu.memory_space<semaphore_mem>>)
      %dma_start3A_94 = arith.constant 7 : i32
      %dma_start3A_95 = arith.constant 7 : i32
      %dma_start3A_96 = arith.constant 0 : i32
      %dma_start3A_97 = arith.constant 0 : i32
      %dma_start3A_98 = tpu.memref_slice %arg6[%dma_start3A_95, %dma_start3A_96, %dma_start3A_97] : memref<10x128x32xf32, #tpu.memory_space<vmem>> -> memref<1x128x32xf32, #tpu.memory_space<vmem>>
      %dma_start3A_99 = tpu.memref_squeeze %dma_start3A_98 : memref<1x128x32xf32, #tpu.memory_space<vmem>> -> memref<128x32xf32, #tpu.memory_space<vmem>>
      %dma_start3A_100 = arith.constant 0 : i32
      %dma_start3A_101 = tpu.memref_slice %arg5[%dma_start3A_94, %dma_start3A_100] : memref<10x128xi32, #tpu.memory_space<vmem>> -> memref<1x128xi32, #tpu.memory_space<vmem>>
      %dma_start3A_102 = tpu.memref_squeeze %dma_start3A_101 : memref<1x128xi32, #tpu.memory_space<vmem>> -> memref<128xi32, #tpu.memory_space<vmem>>
      %dma_start3A_103 = arith.constant 0 : i32
      %dma_start3A_104 = arith.constant 0 : i32
      %dma_start3A_105 = tpu.memref_slice %arg2[%dma_start3A_103, %dma_start3A_104] : memref<1000000x32xf32, #tpu.memory_space<hbm>> -> memref<1000000x32xf32, #tpu.memory_space<hbm>>
      tpu.enqueue_indirect_dma source(%dma_start3A_105 : memref<1000000x32xf32, #tpu.memory_space<hbm>>) target(%dma_start3A_99 : memref<128x32xf32, #tpu.memory_space<vmem>>) offsets(%dma_start3A_102 : memref<128xi32, #tpu.memory_space<vmem>>) semaphore(%arg7 : memref<!tpu.dma_semaphore, #tpu.memory_space<semaphore_mem>>)
      %dma_start3A_106 = arith.constant 8 : i32
      %dma_start3A_107 = arith.constant 8 : i32
      %dma_start3A_108 = arith.constant 0 : i32
      %dma_start3A_109 = arith.constant 0 : i32
      %dma_start3A_110 = tpu.memref_slice %arg6[%dma_start3A_107, %dma_start3A_108, %dma_start3A_109] : memref<10x128x32xf32, #tpu.memory_space<vmem>> -> memref<1x128x32xf32, #tpu.memory_space<vmem>>
      %dma_start3A_111 = tpu.memref_squeeze %dma_start3A_110 : memref<1x128x32xf32, #tpu.memory_space<vmem>> -> memref<128x32xf32, #tpu.memory_space<vmem>>
      %dma_start3A_112 = arith.constant 0 : i32
      %dma_start3A_113 = tpu.memref_slice %arg5[%dma_start3A_106, %dma_start3A_112] : memref<10x128xi32, #tpu.memory_space<vmem>> -> memref<1x128xi32, #tpu.memory_space<vmem>>
      %dma_start3A_114 = tpu.memref_squeeze %dma_start3A_113 : memref<1x128xi32, #tpu.memory_space<vmem>> -> memref<128xi32, #tpu.memory_space<vmem>>
      %dma_start3A_115 = arith.constant 0 : i32
      %dma_start3A_116 = arith.constant 0 : i32
      %dma_start3A_117 = tpu.memref_slice %arg2[%dma_start3A_115, %dma_start3A_116] : memref<1000000x32xf32, #tpu.memory_space<hbm>> -> memref<1000000x32xf32, #tpu.memory_space<hbm>>
      tpu.enqueue_indirect_dma source(%dma_start3A_117 : memref<1000000x32xf32, #tpu.memory_space<hbm>>) target(%dma_start3A_111 : memref<128x32xf32, #tpu.memory_space<vmem>>) offsets(%dma_start3A_114 : memref<128xi32, #tpu.memory_space<vmem>>) semaphore(%arg7 : memref<!tpu.dma_semaphore, #tpu.memory_space<semaphore_mem>>)
      %dma_start3A_118 = arith.constant 9 : i32
      %dma_start3A_119 = arith.constant 9 : i32
      %dma_start3A_120 = arith.constant 0 : i32
      %dma_start3A_121 = arith.constant 0 : i32
      %dma_start3A_122 = tpu.memref_slice %arg6[%dma_start3A_119, %dma_start3A_120, %dma_start3A_121] : memref<10x128x32xf32, #tpu.memory_space<vmem>> -> memref<1x128x32xf32, #tpu.memory_space<vmem>>
      %dma_start3A_123 = tpu.memref_squeeze %dma_start3A_122 : memref<1x128x32xf32, #tpu.memory_space<vmem>> -> memref<128x32xf32, #tpu.memory_space<vmem>>
      %dma_start3A_124 = arith.constant 0 : i32
      %dma_start3A_125 = tpu.memref_slice %arg5[%dma_start3A_118, %dma_start3A_124] : memref<10x128xi32, #tpu.memory_space<vmem>> -> memref<1x128xi32, #tpu.memory_space<vmem>>
      %dma_start3A_126 = tpu.memref_squeeze %dma_start3A_125 : memref<1x128xi32, #tpu.memory_space<vmem>> -> memref<128xi32, #tpu.memory_space<vmem>>
      %dma_start3A_127 = arith.constant 0 : i32
      %dma_start3A_128 = arith.constant 0 : i32
      %dma_start3A_129 = tpu.memref_slice %arg2[%dma_start3A_127, %dma_start3A_128] : memref<1000000x32xf32, #tpu.memory_space<hbm>> -> memref<1000000x32xf32, #tpu.memory_space<hbm>>
      tpu.enqueue_indirect_dma source(%dma_start3A_129 : memref<1000000x32xf32, #tpu.memory_space<hbm>>) target(%dma_start3A_123 : memref<128x32xf32, #tpu.memory_space<vmem>>) offsets(%dma_start3A_126 : memref<128xi32, #tpu.memory_space<vmem>>) semaphore(%arg7 : memref<!tpu.dma_semaphore, #tpu.memory_space<semaphore_mem>>)
      %dma_wait3A = arith.constant 0 : i32
      %dma_wait3A_130 = arith.constant 0 : i32
      %dma_wait3A_131 = arith.constant 0 : i32
      %dma_wait3A_132 = arith.constant 0 : i32
      %dma_wait3A_133 = tpu.memref_slice %arg6[%dma_wait3A_130, %dma_wait3A_131, %dma_wait3A_132] : memref<10x128x32xf32, #tpu.memory_space<vmem>> -> memref<1x128x32xf32, #tpu.memory_space<vmem>>
      %dma_wait3A_134 = tpu.memref_squeeze %dma_wait3A_133 : memref<1x128x32xf32, #tpu.memory_space<vmem>> -> memref<128x32xf32, #tpu.memory_space<vmem>>
      %dma_wait3A_135 = arith.constant 0 : i32
      %dma_wait3A_136 = tpu.memref_slice %arg5[%dma_wait3A, %dma_wait3A_135] : memref<10x128xi32, #tpu.memory_space<vmem>> -> memref<1x128xi32, #tpu.memory_space<vmem>>
      %dma_wait3A_137 = tpu.memref_squeeze %dma_wait3A_136 : memref<1x128xi32, #tpu.memory_space<vmem>> -> memref<128xi32, #tpu.memory_space<vmem>>
      %dma_wait3A_138 = arith.constant 0 : i32
      %dma_wait3A_139 = arith.constant 0 : i32
      %dma_wait3A_140 = tpu.memref_slice %arg2[%dma_wait3A_138, %dma_wait3A_139] : memref<1000000x32xf32, #tpu.memory_space<hbm>> -> memref<1000000x32xf32, #tpu.memory_space<hbm>>
      tpu.wait_indirect_dma semaphore(%arg7 : memref<!tpu.dma_semaphore, #tpu.memory_space<semaphore_mem>>) src(%dma_wait3A_140 : memref<1000000x32xf32, #tpu.memory_space<hbm>>) dst(%dma_wait3A_134 : memref<128x32xf32, #tpu.memory_space<vmem>>)
      %dma_wait3A_141 = arith.constant 1 : i32
      %dma_wait3A_142 = arith.constant 1 : i32
      %dma_wait3A_143 = arith.constant 0 : i32
      %dma_wait3A_144 = arith.constant 0 : i32
      %dma_wait3A_145 = tpu.memref_slice %arg6[%dma_wait3A_142, %dma_wait3A_143, %dma_wait3A_144] : memref<10x128x32xf32, #tpu.memory_space<vmem>> -> memref<1x128x32xf32, #tpu.memory_space<vmem>>
      %dma_wait3A_146 = tpu.memref_squeeze %dma_wait3A_145 : memref<1x128x32xf32, #tpu.memory_space<vmem>> -> memref<128x32xf32, #tpu.memory_space<vmem>>
      %dma_wait3A_147 = arith.constant 0 : i32
      %dma_wait3A_148 = tpu.memref_slice %arg5[%dma_wait3A_141, %dma_wait3A_147] : memref<10x128xi32, #tpu.memory_space<vmem>> -> memref<1x128xi32, #tpu.memory_space<vmem>>
      %dma_wait3A_149 = tpu.memref_squeeze %dma_wait3A_148 : memref<1x128xi32, #tpu.memory_space<vmem>> -> memref<128xi32, #tpu.memory_space<vmem>>
      %dma_wait3A_150 = arith.constant 0 : i32
      %dma_wait3A_151 = arith.constant 0 : i32
      %dma_wait3A_152 = tpu.memref_slice %arg2[%dma_wait3A_150, %dma_wait3A_151] : memref<1000000x32xf32, #tpu.memory_space<hbm>> -> memref<1000000x32xf32, #tpu.memory_space<hbm>>
      tpu.wait_indirect_dma semaphore(%arg7 : memref<!tpu.dma_semaphore, #tpu.memory_space<semaphore_mem>>) src(%dma_wait3A_152 : memref<1000000x32xf32, #tpu.memory_space<hbm>>) dst(%dma_wait3A_146 : memref<128x32xf32, #tpu.memory_space<vmem>>)
      %dma_wait3A_153 = arith.constant 2 : i32
      %dma_wait3A_154 = arith.constant 2 : i32
      %dma_wait3A_155 = arith.constant 0 : i32
      %dma_wait3A_156 = arith.constant 0 : i32
      %dma_wait3A_157 = tpu.memref_slice %arg6[%dma_wait3A_154, %dma_wait3A_155, %dma_wait3A_156] : memref<10x128x32xf32, #tpu.memory_space<vmem>> -> memref<1x128x32xf32, #tpu.memory_space<vmem>>
      %dma_wait3A_158 = tpu.memref_squeeze %dma_wait3A_157 : memref<1x128x32xf32, #tpu.memory_space<vmem>> -> memref<128x32xf32, #tpu.memory_space<vmem>>
      %dma_wait3A_159 = arith.constant 0 : i32
      %dma_wait3A_160 = tpu.memref_slice %arg5[%dma_wait3A_153, %dma_wait3A_159] : memref<10x128xi32, #tpu.memory_space<vmem>> -> memref<1x128xi32, #tpu.memory_space<vmem>>
      %dma_wait3A_161 = tpu.memref_squeeze %dma_wait3A_160 : memref<1x128xi32, #tpu.memory_space<vmem>> -> memref<128xi32, #tpu.memory_space<vmem>>
      %dma_wait3A_162 = arith.constant 0 : i32
      %dma_wait3A_163 = arith.constant 0 : i32
      %dma_wait3A_164 = tpu.memref_slice %arg2[%dma_wait3A_162, %dma_wait3A_163] : memref<1000000x32xf32, #tpu.memory_space<hbm>> -> memref<1000000x32xf32, #tpu.memory_space<hbm>>
      tpu.wait_indirect_dma semaphore(%arg7 : memref<!tpu.dma_semaphore, #tpu.memory_space<semaphore_mem>>) src(%dma_wait3A_164 : memref<1000000x32xf32, #tpu.memory_space<hbm>>) dst(%dma_wait3A_158 : memref<128x32xf32, #tpu.memory_space<vmem>>)
      %dma_wait3A_165 = arith.constant 3 : i32
      %dma_wait3A_166 = arith.constant 3 : i32
      %dma_wait3A_167 = arith.constant 0 : i32
      %dma_wait3A_168 = arith.constant 0 : i32
      %dma_wait3A_169 = tpu.memref_slice %arg6[%dma_wait3A_166, %dma_wait3A_167, %dma_wait3A_168] : memref<10x128x32xf32, #tpu.memory_space<vmem>> -> memref<1x128x32xf32, #tpu.memory_space<vmem>>
      %dma_wait3A_170 = tpu.memref_squeeze %dma_wait3A_169 : memref<1x128x32xf32, #tpu.memory_space<vmem>> -> memref<128x32xf32, #tpu.memory_space<vmem>>
      %dma_wait3A_171 = arith.constant 0 : i32
      %dma_wait3A_172 = tpu.memref_slice %arg5[%dma_wait3A_165, %dma_wait3A_171] : memref<10x128xi32, #tpu.memory_space<vmem>> -> memref<1x128xi32, #tpu.memory_space<vmem>>
      %dma_wait3A_173 = tpu.memref_squeeze %dma_wait3A_172 : memref<1x128xi32, #tpu.memory_space<vmem>> -> memref<128xi32, #tpu.memory_space<vmem>>
      %dma_wait3A_174 = arith.constant 0 : i32
      %dma_wait3A_175 = arith.constant 0 : i32
      %dma_wait3A_176 = tpu.memref_slice %arg2[%dma_wait3A_174, %dma_wait3A_175] : memref<1000000x32xf32, #tpu.memory_space<hbm>> -> memref<1000000x32xf32, #tpu.memory_space<hbm>>
      tpu.wait_indirect_dma semaphore(%arg7 : memref<!tpu.dma_semaphore, #tpu.memory_space<semaphore_mem>>) src(%dma_wait3A_176 : memref<1000000x32xf32, #tpu.memory_space<hbm>>) dst(%dma_wait3A_170 : memref<128x32xf32, #tpu.memory_space<vmem>>)
      %dma_wait3A_177 = arith.constant 4 : i32
      %dma_wait3A_178 = arith.constant 4 : i32
      %dma_wait3A_179 = arith.constant 0 : i32
      %dma_wait3A_180 = arith.constant 0 : i32
      %dma_wait3A_181 = tpu.memref_slice %arg6[%dma_wait3A_178, %dma_wait3A_179, %dma_wait3A_180] : memref<10x128x32xf32, #tpu.memory_space<vmem>> -> memref<1x128x32xf32, #tpu.memory_space<vmem>>
      %dma_wait3A_182 = tpu.memref_squeeze %dma_wait3A_181 : memref<1x128x32xf32, #tpu.memory_space<vmem>> -> memref<128x32xf32, #tpu.memory_space<vmem>>
      %dma_wait3A_183 = arith.constant 0 : i32
      %dma_wait3A_184 = tpu.memref_slice %arg5[%dma_wait3A_177, %dma_wait3A_183] : memref<10x128xi32, #tpu.memory_space<vmem>> -> memref<1x128xi32, #tpu.memory_space<vmem>>
      %dma_wait3A_185 = tpu.memref_squeeze %dma_wait3A_184 : memref<1x128xi32, #tpu.memory_space<vmem>> -> memref<128xi32, #tpu.memory_space<vmem>>
      %dma_wait3A_186 = arith.constant 0 : i32
      %dma_wait3A_187 = arith.constant 0 : i32
      %dma_wait3A_188 = tpu.memref_slice %arg2[%dma_wait3A_186, %dma_wait3A_187] : memref<1000000x32xf32, #tpu.memory_space<hbm>> -> memref<1000000x32xf32, #tpu.memory_space<hbm>>
      tpu.wait_indirect_dma semaphore(%arg7 : memref<!tpu.dma_semaphore, #tpu.memory_space<semaphore_mem>>) src(%dma_wait3A_188 : memref<1000000x32xf32, #tpu.memory_space<hbm>>) dst(%dma_wait3A_182 : memref<128x32xf32, #tpu.memory_space<vmem>>)
      %dma_wait3A_189 = arith.constant 5 : i32
      %dma_wait3A_190 = arith.constant 5 : i32
      %dma_wait3A_191 = arith.constant 0 : i32
      %dma_wait3A_192 = arith.constant 0 : i32
      %dma_wait3A_193 = tpu.memref_slice %arg6[%dma_wait3A_190, %dma_wait3A_191, %dma_wait3A_192] : memref<10x128x32xf32, #tpu.memory_space<vmem>> -> memref<1x128x32xf32, #tpu.memory_space<vmem>>
      %dma_wait3A_194 = tpu.memref_squeeze %dma_wait3A_193 : memref<1x128x32xf32, #tpu.memory_space<vmem>> -> memref<128x32xf32, #tpu.memory_space<vmem>>
      %dma_wait3A_195 = arith.constant 0 : i32
      %dma_wait3A_196 = tpu.memref_slice %arg5[%dma_wait3A_189, %dma_wait3A_195] : memref<10x128xi32, #tpu.memory_space<vmem>> -> memref<1x128xi32, #tpu.memory_space<vmem>>
      %dma_wait3A_197 = tpu.memref_squeeze %dma_wait3A_196 : memref<1x128xi32, #tpu.memory_space<vmem>> -> memref<128xi32, #tpu.memory_space<vmem>>
      %dma_wait3A_198 = arith.constant 0 : i32
      %dma_wait3A_199 = arith.constant 0 : i32
      %dma_wait3A_200 = tpu.memref_slice %arg2[%dma_wait3A_198, %dma_wait3A_199] : memref<1000000x32xf32, #tpu.memory_space<hbm>> -> memref<1000000x32xf32, #tpu.memory_space<hbm>>
      tpu.wait_indirect_dma semaphore(%arg7 : memref<!tpu.dma_semaphore, #tpu.memory_space<semaphore_mem>>) src(%dma_wait3A_200 : memref<1000000x32xf32, #tpu.memory_space<hbm>>) dst(%dma_wait3A_194 : memref<128x32xf32, #tpu.memory_space<vmem>>)
      %dma_wait3A_201 = arith.constant 6 : i32
      %dma_wait3A_202 = arith.constant 6 : i32
      %dma_wait3A_203 = arith.constant 0 : i32
      %dma_wait3A_204 = arith.constant 0 : i32
      %dma_wait3A_205 = tpu.memref_slice %arg6[%dma_wait3A_202, %dma_wait3A_203, %dma_wait3A_204] : memref<10x128x32xf32, #tpu.memory_space<vmem>> -> memref<1x128x32xf32, #tpu.memory_space<vmem>>
      %dma_wait3A_206 = tpu.memref_squeeze %dma_wait3A_205 : memref<1x128x32xf32, #tpu.memory_space<vmem>> -> memref<128x32xf32, #tpu.memory_space<vmem>>
      %dma_wait3A_207 = arith.constant 0 : i32
      %dma_wait3A_208 = tpu.memref_slice %arg5[%dma_wait3A_201, %dma_wait3A_207] : memref<10x128xi32, #tpu.memory_space<vmem>> -> memref<1x128xi32, #tpu.memory_space<vmem>>
      %dma_wait3A_209 = tpu.memref_squeeze %dma_wait3A_208 : memref<1x128xi32, #tpu.memory_space<vmem>> -> memref<128xi32, #tpu.memory_space<vmem>>
      %dma_wait3A_210 = arith.constant 0 : i32
      %dma_wait3A_211 = arith.constant 0 : i32
      %dma_wait3A_212 = tpu.memref_slice %arg2[%dma_wait3A_210, %dma_wait3A_211] : memref<1000000x32xf32, #tpu.memory_space<hbm>> -> memref<1000000x32xf32, #tpu.memory_space<hbm>>
      tpu.wait_indirect_dma semaphore(%arg7 : memref<!tpu.dma_semaphore, #tpu.memory_space<semaphore_mem>>) src(%dma_wait3A_212 : memref<1000000x32xf32, #tpu.memory_space<hbm>>) dst(%dma_wait3A_206 : memref<128x32xf32, #tpu.memory_space<vmem>>)
      %dma_wait3A_213 = arith.constant 7 : i32
      %dma_wait3A_214 = arith.constant 7 : i32
      %dma_wait3A_215 = arith.constant 0 : i32
      %dma_wait3A_216 = arith.constant 0 : i32
      %dma_wait3A_217 = tpu.memref_slice %arg6[%dma_wait3A_214, %dma_wait3A_215, %dma_wait3A_216] : memref<10x128x32xf32, #tpu.memory_space<vmem>> -> memref<1x128x32xf32, #tpu.memory_space<vmem>>
      %dma_wait3A_218 = tpu.memref_squeeze %dma_wait3A_217 : memref<1x128x32xf32, #tpu.memory_space<vmem>> -> memref<128x32xf32, #tpu.memory_space<vmem>>
      %dma_wait3A_219 = arith.constant 0 : i32
      %dma_wait3A_220 = tpu.memref_slice %arg5[%dma_wait3A_213, %dma_wait3A_219] : memref<10x128xi32, #tpu.memory_space<vmem>> -> memref<1x128xi32, #tpu.memory_space<vmem>>
      %dma_wait3A_221 = tpu.memref_squeeze %dma_wait3A_220 : memref<1x128xi32, #tpu.memory_space<vmem>> -> memref<128xi32, #tpu.memory_space<vmem>>
      %dma_wait3A_222 = arith.constant 0 : i32
      %dma_wait3A_223 = arith.constant 0 : i32
      %dma_wait3A_224 = tpu.memref_slice %arg2[%dma_wait3A_222, %dma_wait3A_223] : memref<1000000x32xf32, #tpu.memory_space<hbm>> -> memref<1000000x32xf32, #tpu.memory_space<hbm>>
      tpu.wait_indirect_dma semaphore(%arg7 : memref<!tpu.dma_semaphore, #tpu.memory_space<semaphore_mem>>) src(%dma_wait3A_224 : memref<1000000x32xf32, #tpu.memory_space<hbm>>) dst(%dma_wait3A_218 : memref<128x32xf32, #tpu.memory_space<vmem>>)
      %dma_wait3A_225 = arith.constant 8 : i32
      %dma_wait3A_226 = arith.constant 8 : i32
      %dma_wait3A_227 = arith.constant 0 : i32
      %dma_wait3A_228 = arith.constant 0 : i32
      %dma_wait3A_229 = tpu.memref_slice %arg6[%dma_wait3A_226, %dma_wait3A_227, %dma_wait3A_228] : memref<10x128x32xf32, #tpu.memory_space<vmem>> -> memref<1x128x32xf32, #tpu.memory_space<vmem>>
      %dma_wait3A_230 = tpu.memref_squeeze %dma_wait3A_229 : memref<1x128x32xf32, #tpu.memory_space<vmem>> -> memref<128x32xf32, #tpu.memory_space<vmem>>
      %dma_wait3A_231 = arith.constant 0 : i32
      %dma_wait3A_232 = tpu.memref_slice %arg5[%dma_wait3A_225, %dma_wait3A_231] : memref<10x128xi32, #tpu.memory_space<vmem>> -> memref<1x128xi32, #tpu.memory_space<vmem>>
      %dma_wait3A_233 = tpu.memref_squeeze %dma_wait3A_232 : memref<1x128xi32, #tpu.memory_space<vmem>> -> memref<128xi32, #tpu.memory_space<vmem>>
      %dma_wait3A_234 = arith.constant 0 : i32
      %dma_wait3A_235 = arith.constant 0 : i32
      %dma_wait3A_236 = tpu.memref_slice %arg2[%dma_wait3A_234, %dma_wait3A_235] : memref<1000000x32xf32, #tpu.memory_space<hbm>> -> memref<1000000x32xf32, #tpu.memory_space<hbm>>
      tpu.wait_indirect_dma semaphore(%arg7 : memref<!tpu.dma_semaphore, #tpu.memory_space<semaphore_mem>>) src(%dma_wait3A_236 : memref<1000000x32xf32, #tpu.memory_space<hbm>>) dst(%dma_wait3A_230 : memref<128x32xf32, #tpu.memory_space<vmem>>)
      %dma_wait3A_237 = arith.constant 9 : i32
      %dma_wait3A_238 = arith.constant 9 : i32
      %dma_wait3A_239 = arith.constant 0 : i32
      %dma_wait3A_240 = arith.constant 0 : i32
      %dma_wait3A_241 = tpu.memref_slice %arg6[%dma_wait3A_238, %dma_wait3A_239, %dma_wait3A_240] : memref<10x128x32xf32, #tpu.memory_space<vmem>> -> memref<1x128x32xf32, #tpu.memory_space<vmem>>
      %dma_wait3A_242 = tpu.memref_squeeze %dma_wait3A_241 : memref<1x128x32xf32, #tpu.memory_space<vmem>> -> memref<128x32xf32, #tpu.memory_space<vmem>>
      %dma_wait3A_243 = arith.constant 0 : i32
      %dma_wait3A_244 = tpu.memref_slice %arg5[%dma_wait3A_237, %dma_wait3A_243] : memref<10x128xi32, #tpu.memory_space<vmem>> -> memref<1x128xi32, #tpu.memory_space<vmem>>
      %dma_wait3A_245 = tpu.memref_squeeze %dma_wait3A_244 : memref<1x128xi32, #tpu.memory_space<vmem>> -> memref<128xi32, #tpu.memory_space<vmem>>
      %dma_wait3A_246 = arith.constant 0 : i32
      %dma_wait3A_247 = arith.constant 0 : i32
      %dma_wait3A_248 = tpu.memref_slice %arg2[%dma_wait3A_246, %dma_wait3A_247] : memref<1000000x32xf32, #tpu.memory_space<hbm>> -> memref<1000000x32xf32, #tpu.memory_space<hbm>>
      tpu.wait_indirect_dma semaphore(%arg7 : memref<!tpu.dma_semaphore, #tpu.memory_space<semaphore_mem>>) src(%dma_wait3A_248 : memref<1000000x32xf32, #tpu.memory_space<hbm>>) dst(%dma_wait3A_242 : memref<128x32xf32, #tpu.memory_space<vmem>>)
      "tpu.region"() ({
        %run_scoped3A = tpu.sem_alloc : memref<!tpu.dma_semaphore, #tpu.memory_space<semaphore_mem>>
        %dma_start3A_249 = arith.constant 0 : i32
        %dma_start3A_250 = tpu.memref_slice %arg4[%mul3A_10, %mul3A_2, %dma_start3A_249] : memref<50x4096x32xf32, #tpu.memory_space<hbm>> -> memref<10x128x32xf32, #tpu.memory_space<hbm>>
        %dma_start3A_251 = arith.constant 0 : i32
        %dma_start3A_252 = tpu.memref_slice %arg4[%mul3A_10, %mul3A_2, %dma_start3A_251] : memref<50x4096x32xf32, #tpu.memory_space<hbm>> -> memref<10x128x32xf32, #tpu.memory_space<hbm>>
        tpu.enqueue_dma source(%arg6 : memref<10x128x32xf32, #tpu.memory_space<vmem>>) target(%dma_start3A_252 : memref<10x128x32xf32, #tpu.memory_space<hbm>>) target_semaphore(%run_scoped3A : memref<!tpu.dma_semaphore, #tpu.memory_space<semaphore_mem>>)
        %dma_wait3A_253 = arith.constant 0 : i32
        %dma_wait3A_254 = tpu.memref_slice %arg4[%mul3A_10, %mul3A_2, %dma_wait3A_253] : memref<50x4096x32xf32, #tpu.memory_space<hbm>> -> memref<10x128x32xf32, #tpu.memory_space<hbm>>
        %dma_wait3A_255 = arith.constant 0 : i32
        %dma_wait3A_256 = tpu.memref_slice %arg4[%mul3A_10, %mul3A_2, %dma_wait3A_255] : memref<50x4096x32xf32, #tpu.memory_space<hbm>> -> memref<10x128x32xf32, #tpu.memory_space<hbm>>
        tpu.wait_dma2 semaphore(%run_scoped3A : memref<!tpu.dma_semaphore, #tpu.memory_space<semaphore_mem>>) src(%arg6 : memref<10x128x32xf32, #tpu.memory_space<vmem>>) dst(%dma_wait3A_256 : memref<10x128x32xf32, #tpu.memory_space<hbm>>)
        tpu.yield
      }) : () -> ()
    }
    %scan3A_7 = arith.constant 5 : i32
    return
  }
}

</mosaic_0001>

<sc_bundles>
// kernel: kernel.3.cloned.1.call-start
scs
__scs_entry_jumppad:
0x0: {  	(pc) =	sbr.rel $0x88, $3  }
0x1: {  	(tag) =	ssettag $0x0;
	lr =	simm.s32 $0x1  }
0x2: {  	[smem:$0x3F9F] =	sst lr;
	_ =	strace $0xD0000000  }
0x3: {  	_ = 	snop  }
0x4: {  	_ = 	snop  }
0x5: {  	_ = 	snop  }
0x6: {  	_ = 	snop  }
0x7: {  	_ = 	snop  }
__scs_overlays_trampoline_lowered:
0x8: {  	[smem:$0x3FAE] =	sst s0  }
0x9: {  	[smem:$0x3FAF] =	sst s1  }
0xa: {  	[smem:$0x3FB0] =	sst s2  }
0xb: {  	[smem:$0x3FB1] =	sst s3  }
0xc: {  	[smem:$0x3FB2] =	sst s4  }
0xd: {  	[smem:$0x3FB3] =	sst s5  }
0xe: {  	[smem:$0x3FB4] =	sst s6  }
0xf: {  	[smem:$0x3FB5] =	sst s7  }
0x10: {  	[smem:$0x3FB6] =	sst s8  }
0x11: {  	[smem:$0x3FB7] =	sst s9;
	s0 =	simm.s32 @!p0 $0x0  }
0x12: {  	s1 =	sld [smem:$0x3F9D];
	s0 =	simm.s32 @p0 $0x1  }
0x13: {  	[smem:$0x3FB8] =	sst s0;
	s0 =	simm.s32 @!p1 $0x0  }
0x14: {  	s2 =	sld [smem:$0x3F9C];
	s0 =	simm.s32 @p1 $0x1  }
0x15: {  	[smem:$0x3FB9] =	sst s0;
	s0 =	simm.s32 @!p2 $0x0  }
0x16: {  	s3 =	sld [smem:$0x3FDB];
	s0 =	simm.s32 @p2 $0x1  }
0x17: {  	s4 =	simm.s32 $0x1BF5;
	[smem:$0x3FBB] =	sst s0  }
0x18: {  	s0 =	sld [smem:$0x3F9E];
	_ =	swait.ge [sflag:s4], $0x0  }
0x19: {  	s7 =	sld [smem:$0x3F9F]  }
0x1a: {  	s8 =	sadd.s32 $0xFFFFE003, lr  }
0x1b: {  	s9 =	sadd.s32 $0xFFFFFEF7, lr;
	s5 =	simm.s32 $0xFFFFFFFF;
	p2 =	slt.u32 s8, $0xFFFFF086  }
0x1c: {  	p1 =	slt.u32 s9, $0xF7A;
	s5 =	simm.s32 @!p2 $0x0  }
0x1d: {  	s5 =	simm.s32 @p1 $0x1;
	p0 =	seq.s32 s7, s2  }
0x1e: {  	s7 =	smul.u32 @!p0 $0xF7A, s2;
	p2 =	seq.s32 @!p0 s5, $0x0  }
0x1f: {  	s9 =	smul.u32 $0xF7A, s1;
	s8 =	simm.s32 @!p0 $0x1BF5;
	p2 =	por !p2, p0  }
0x20: {  	[sflag:s8] =	ssyncset.s32 @!p0 $0xFFFFF086;
	s6 =	sadd.s32 @!p0 s3, s7;
	s7 =	simm.s32 @!p0 $0x108  }
0x21: {  	s3 =	sadd.s32 s3, s9;
	s6 =	sadd.s32 @!p0 $0x88, s6;
	s7 =	simm.s32 @p2 $0x1082  }
0x22: {  	[simem:s7], [sflag:s8] =	dma.local @!p0 [hbm:s6], $0xF7A  }
0x23: {  	s9 =	sor.u32 $0xD0000000, s2;
	s6 =	simm.s32 $0x108;
	_ =	swait.ge @!p0 [sflag:s8], $0x0  }
0x24: {  	s3 =	sadd.s32 $0x88, s3;
	s6 =	simm.s32 @!p1 $0x1082;
	[sflag:s4] =	ssyncset.s32 $0xFFFFF086  }
0x25: {  	[simem:s6], [sflag:s4] =	dma.local [hbm:s3], $0xF7A  }
0x26: {  	[smem:$0x3F9F] =	sst s1;
	(tag) =	ssettag s2;
	_ =	strace s9  }
0x27: {  	s1 =	sld [smem:$0x3FAF]  }
0x28: {  	s2 =	sld [smem:$0x3FB0]  }
0x29: {  	s4 =	sld [smem:$0x3FB2]  }
0x2a: {  	p0 =	seq.s32 s5, $0x0;
	s5 =	sld [smem:$0x3FB3]  }
0x2b: {  	s6 =	sld [smem:$0x3FB4]  }
0x2c: {  	s7 =	sld [smem:$0x3FB5]  }
0x2d: {  	s3 =	simm.s32 $0x108;
	s8 =	sld [smem:$0x3FB6]  }
0x2e: {  	s3 =	simm.s32 @!p0 $0x1082;
	s9 =	sld [smem:$0x3FB7]  }
0x2f: {  	lr =	sadd.s32 s0, s3;
	s0 =	sld [smem:$0x3FAE]  }
0x30: {  	s3 =	sld [smem:$0x3FB1]  }
0x31: {  	[smem:$0x3FBA] =	sst s10  }
0x32: {  	s10 =	sld [smem:$0x3FB8];
	_ =	sdelay $0x3  }
0x33: {  	p0 =	seq.s32 s10, $0x1;
	s10 =	sld [smem:$0x3FBA];
	_ =	sdelay $0x3  }
0x34: {  	[smem:$0x3FBA] =	sst s10  }
0x35: {  	s10 =	sld [smem:$0x3FB9];
	_ =	sdelay $0x3  }
0x36: {  	p1 =	seq.s32 s10, $0x1;
	s10 =	sld [smem:$0x3FBA];
	_ =	sdelay $0x3  }
0x37: {  	[smem:$0x3FBA] =	sst s10  }
0x38: {  	s10 =	sld [smem:$0x3FBB]  }
0x39: {  	_ = 	snop;
	(pc) =	sbr.ind lr, $3  }
0x3a: {  	_ = 	snop  }
0x3b: {  	_ = 	snop  }
0x3c: {  	p2 =	seq.s32 s10, $0x1;
	s10 =	sld [smem:$0x3FBA]  }
0x3d: {  	_ =	shalt  }
0x3e: {  	_ =	shalt  }
0x3f: {  	_ =	shalt  }
0x40: {  	_ =	shalt  }
0x41: {  	_ =	shalt  }
0x42: {  	_ =	shalt  }
0x43: {  	_ =	shalt  }
0x44: {  	_ =	shalt  }
0x45: {  	_ =	shalt  }
0x46: {  	_ =	shalt  }
0x47: {  	_ =	shalt  }
0x48: {  	_ =	shalt  }
0x49: {  	_ =	shalt  }
0x4a: {  	_ =	shalt  }
0x4b: {  	_ =	shalt  }
0x4c: {  	_ =	shalt  }
0x4d: {  	_ =	shalt  }
0x4e: {  	_ =	shalt  }
0x4f: {  	_ =	shalt  }
0x50: {  	_ =	shalt  }
0x51: {  	_ =	shalt  }
0x52: {  	_ =	shalt  }
0x53: {  	_ =	shalt  }
0x54: {  	_ =	shalt  }
0x55: {  	_ =	shalt  }
0x56: {  	_ =	shalt  }
0x57: {  	_ =	shalt  }
0x58: {  	_ =	shalt  }
0x59: {  	_ =	shalt  }
0x5a: {  	_ =	shalt  }
0x5b: {  	_ =	shalt  }
0x5c: {  	_ =	shalt  }
0x5d: {  	_ =	shalt  }
0x5e: {  	_ =	shalt  }
0x5f: {  	_ =	shalt  }
0x60: {  	_ =	shalt  }
0x61: {  	_ =	shalt  }
0x62: {  	_ =	shalt  }
0x63: {  	_ =	shalt  }
0x64: {  	_ =	shalt  }
0x65: {  	_ =	shalt  }
0x66: {  	_ =	shalt  }
0x67: {  	_ =	shalt  }
0x68: {  	_ =	shalt  }
0x69: {  	_ =	shalt  }
0x6a: {  	_ =	shalt  }
0x6b: {  	_ =	shalt  }
0x6c: {  	_ =	shalt  }
0x6d: {  	_ =	shalt  }
0x6e: {  	_ =	shalt  }
0x6f: {  	_ =	shalt  }
0x70: {  	_ =	shalt  }
0x71: {  	_ =	shalt  }
0x72: {  	_ =	shalt  }
0x73: {  	_ =	shalt  }
0x74: {  	_ =	shalt  }
0x75: {  	_ =	shalt  }
0x76: {  	_ =	shalt  }
0x77: {  	_ =	shalt  }
0x78: {  	_ =	shalt  }
0x79: {  	_ =	shalt  }
0x7a: {  	_ =	shalt  }
0x7b: {  	_ =	shalt  }
0x7c: {  	_ =	shalt  }
0x7d: {  	_ =	shalt  }
0x7e: {  	_ =	shalt  }
0x7f: {  	_ =	shalt  }
0x80: {  	_ =	shalt  }
0x81: {  	_ =	shalt  }
0x82: {  	_ =	shalt  }
0x83: {  	_ =	shalt  }
0x84: {  	_ =	shalt  }
0x85: {  	_ =	shalt  }
0x86: {  	_ =	shalt  }
0x87: {  	_ =	shalt  }
.Lfunc_end0:
.L_simem_size_0:
called_computation_lowered:
.L_overlay_start_0:
0x88: {  	s2 =	sld [smem:$0x3FD9]  }
0x89: {  	s3 =	sld [smem:$0x3FFE];
	_ =	sdelay $0x1  }
0x8a: {  	s1 =	srdreg.scid  }
0x8b: {  	s0 =	sand.u32 $0x1, s1  }
0x8c: {  	s17 =	sshll.u32 s0, $0xA;
	s2 =	sadd.s32 s3, s2  }
0x8d: {  	s2 =	sadd.s32 s2, s17  }
0x8e: {  	[smem:$0x3FC6] =	sst s2  }
0x8f: {  	_ = 	snop  }
0x90: {  	s2 =	sld [smem:$0x3FD0];
	(tm) =	ssettm $0x1  }
0x91: {  	s18 =	sld [smem:$0x3FFB];
	_ =	sdelay $0x3  }
0x92: {  	_ =	strace s18  }
0x93: {  	s3 =	sld [smem:$0x3FFC];
	_ =	sdelay $0x3  }
0x94: {  	_ =	strace s3  }
0x95: {  	s3 =	sld [smem:$0x3FFD];
	_ =	sdelay $0x3  }
0x96: {  	_ =	strace s3  }
0x97: {  	_ =	strace $0x8FFFFFFF  }
0x98: {  	s19 =	sld [smem:$0x3FDB];
	_ =	sdelay $0x1  }
0x99: {  	s4 =	simm.s32 $_scs_section_size  }
0x9a: {  	s5 =	simm.s32 $_size__tile_overlayer_lowered;
	s6 =	simm.s32 $_tile_overlayer_lowered  }
0x9b: {  	s22 =	simm.s32 $0x1BFF;
	s21 =	sshll.u32 s6, $0x1;
	s3 =	sadd.s32 s4, s19  }
0x9c: {  	s7 =	simm.s32 $0x0;
	s20 =	sshll.u32 s5, $0x1;
	s5 =	sadd.s32 s21, s3  }
0x9d: {  	[timem:s7], [sflag:s22] =	dma.local [hbm:s5], s20  }
0x9e: {  	_ =	swait.ge [sflag:s22], s20  }
0x9f: {  	s4 =	ssub.s32 $0x0, s20;
	[sflag:s22] =	ssyncset.done $0x0  }
0xa0: {  	[sflag:s22] =	ssyncadd.s32 s4;
	_ =	sdelay $0x1  }
0xa1: {  	s23 =	simm.s32 $0x1B8B  }
0xa2: {  	_ =	swait.ge [sflag:s23], $0x1  }
0xa3: {  	[sflag:s23] =	ssyncset.done $0x0  }
0xa4: {  	s25 =	simm.s32 $0x1B8E;
	s24 =	sld [smem:$0x3FFE];
	[sflag:s23] =	ssyncadd.s32 $0xFFFFFFFF  }
0xa5: {  	s26 =	simm.s32 $execute0_lowered;
	[smem:$0x3FD2] =	sst s25  }
0xa6: {  	s5 =	sshll.u32 s26, $0x1;
	_ =	strace $0x80000046;
	[dreg:$0x1] =	wrdreg $0xFFFFFFFF  }
0xa7: {  	s28 =	simm.s32 $_size_execute0_lowered;
	s3 =	sadd.s32 s3, s5;
	[dreg:$0x0] =	wrdreg $0x0  }
0xa8: {  	s5 =	sshll.u32 s28, $0x1;
	[dreg:$0x2] =	wrdreg s3  }
0xa9: {  	[dreg:$0x3] =	wrdreg s5  }
0xaa: {  	[dreg:$0x4] =	wrdreg $0xC0  }
0xab: {  	_ =	task [dreg:s7], $0x5FFFF  }
0xac: {  	[dreg:$0x1] =	wrdreg $0xFFFFFFFF  }
0xad: {  	[dreg:$0x0] =	wrdreg $0x60  }
0xae: {  	[dreg:$0x2] =	wrdreg s24  }
0xaf: {  	[dreg:$0x3] =	wrdreg s2  }
0xb0: {  	[dreg:$0x4] =	wrdreg $0x9  }
0xb1: {  	_ =	task.clear_ibuf [dreg:s7], $0x5FFFF;
	_ =	strace $0x90000046  }
0xb2: {  	s29 =	simm.s32 $0x9;
	_ =	strace $0x80000048  }
0xb3: {  	_ =	swait.ge [sflag:s29], $0x1  }
0xb4: {  	[sflag:s29] =	ssyncadd.s32 $0xFFFFFFFF  }
0xb5: {  	_ =	strace $0x90000048  }
0xb6: {  	_ =	sfence  }
0xb7: {  	s30 =	sld [smem:$0x0];
	_ =	sdelay $0x2  }
0xb8: {  	s31 =	sshll.u32 s1, $0xD;
	s1 =	sshrl.u32 s1, $0x2  }
0xb9: {  	s3 =	sand.u32 $0x4000, s31;
	s1 =	sadd.s32 s1, s30  }
0xba: {  	s0 =	sor.u32 s3, s0;
	s1 =	sshll.u32 s1, $0x11  }
0xbb: {  	s0 =	sor.u32 s1, s0  }
0xbc: {  	s0 =	sadd.s32 $0x8F2B, s0  }
0xbd: {  	[sflag:s0] =	ssyncadd.remote.s32 $0x1  }
0xbe: {  	_ =	sfence.sel $0xFFFF  }
0xbf: {  	[dreg:$0x0] =	wrdreg $0xFFFFFFFF;
	(pc) =	sbr.abs _section_cstart, $3  }
0xc0: {  	[dreg:$0x1] =	wrdreg $0xFFFFFFFF  }
0xc1: {  	_ =	task.clear_ibuf [dreg:s7], $0x2FFFF;
	_ =	strace $0x9FFFFFFF  }
0xc2: {  	(tm) =	ssettm $0x7FFFFFFF  }
0xc3: {  	_ =	shalt  }
tec
execute0_lowered:
.L_overlay_start_1:
0x0: {  	(tag) =	ssettag $0x1  }
0x1: {  	s0 =	rddreg [dreg:$0x0]  }
0x2: {  	s1 =	rddreg [dreg:$0x1];
	s2 =	srdreg.scid  }
0x3: {  	s7 =	stileid.u32;
	s8 =	simm.s32 $0x2;
	s9 =	simm.s32 $0x500  }
0x4: {  	s10 =	simm.s32 $0x1500;
	s11 =	simm.s32 $0x100;
	s12 =	simm.s32 $0x2500  }
0x5: {  	s13 =	simm.s32 $0x180;
	s14 =	simm.s32 $0x3500;
	s15 =	simm.s32 $0x200  }
0x6: {  	s16 =	simm.s32 $0x4500;
	s17 =	simm.s32 $0x280;
	s18 =	simm.s32 $0x5500  }
0x7: {  	s19 =	simm.s32 $0x300;
	s20 =	simm.s32 $0x6500;
	s21 =	simm.s32 $0x380  }
0x8: {  	s22 =	simm.s32 $0x7500;
	s23 =	simm.s32 $0x400;
	s24 =	simm.s32 $0x8500  }
0x9: {  	s25 =	simm.s32 $0x480;
	s26 =	simm.s32 $0x9500;
	s28 =	simm.s32 $0x1  }
0xa: {  	s29 =	simm.s32 $0x20000;
	s4 =	sand.u32 $0x1, s2;
	s2 =	simm.s32 $0x0  }
0xb: {  	s3 =	sshll.u32 s7, $0x8;
	s7 =	sshll.u32 s7, $0xD;
	s5 =	sshll.u32 s4, $0x7  }
0xc: {  	[smem:$0x7FF] =	sst s2;
	s6 =	ssub.s32 $0x2, s4;
	s4 =	sshll.u32 s4, $0xC  }
0xd: {  	s5 =	sor.u32 s5, s3;
	s3 =	sadd.s32 $0xF42A00, s0;
	s4 =	sor.u32 s4, s7  }
0xe: {  	s31 =	sshrl.u32 s6, $0x1;
	s5 =	sshrl.u32 s5, $0x3;
	s4 =	sshrl.u32 s4, $0x3  }
0xf: {  	s0 =	sadd.s32 s5, s0;
	s5 =	ssub.s32 s6, s31;
	s1 =	sadd.s32 s4, s1  }
0x10: {  	_ =	strace $0x80000047;
	s5 =	smax.u32 s5, $0x1;
	[dreg:$0x5] =	wrdreg s1  }
0x11: {  	s30 =	simm.s32 $0x0;
	s0 =	sadd.s32 $0x600, s0;
	[dreg:$0x4] =	wrdreg s5  }
0x12: {  	s7 =	simm.s32 $0x1000;
	s6 =	simm.s32 $0x80;
	[dreg:$0x3] =	wrdreg s0  }
.LBB2_1:
0x13: {  	s0 =	rddreg [dreg:$0x3]  }
0x14: {  	s0 =	sadd.s32 $0x0, s0  }
0x15: {  	[tilespmem:s2], [sflag:$0x2] =	stream.strided.gather [hbm4b:s0+s6], $0x500, s7, s6, $0x38;
	[tilespmem:$0xA500] =	vst v63  }
0x16: {  	_ =	swait.ge [sflag:s8], $0x500  }
0x17: {  	[sflag:s8] =	ssyncset.done $0x0  }
0x18: {  	[sflag:s8] =	ssyncadd.s32 $0xFFFFFB00  }
0x19: {  	[tilespmem:s9], [sflag:$0x1] =	stream.indirect.gather [hbm4b:s3+s6], $0x20, s2, s6, $0xb8;
	[tilespmem:$0xA500] =	vst v63  }
0x1a: {  	_ = 	snop  }
0x1b: {  	[tilespmem:s10], [sflag:$0x1] =	stream.indirect.gather [hbm4b:s3+s6], $0x20, s6, s6, $0xb8;
	[tilespmem:$0xA500] =	vst v63  }
0x1c: {  	_ = 	snop  }
0x1d: {  	[tilespmem:s12], [sflag:$0x1] =	stream.indirect.gather [hbm4b:s3+s6], $0x20, s11, s6, $0xb8;
	[tilespmem:$0xA500] =	vst v63  }
0x1e: {  	_ = 	snop  }
0x1f: {  	[tilespmem:s14], [sflag:$0x1] =	stream.indirect.gather [hbm4b:s3+s6], $0x20, s13, s6, $0xb8;
	[tilespmem:$0xA500] =	vst v63  }
0x20: {  	_ = 	snop  }
0x21: {  	[tilespmem:s16], [sflag:$0x1] =	stream.indirect.gather [hbm4b:s3+s6], $0x20, s15, s6, $0xb8;
	[tilespmem:$0xA500] =	vst v63  }
0x22: {  	_ = 	snop  }
0x23: {  	[tilespmem:s18], [sflag:$0x1] =	stream.indirect.gather [hbm4b:s3+s6], $0x20, s17, s6, $0xb8;
	[tilespmem:$0xA500] =	vst v63  }
0x24: {  	_ = 	snop  }
0x25: {  	[tilespmem:s20], [sflag:$0x1] =	stream.indirect.gather [hbm4b:s3+s6], $0x20, s19, s6, $0xb8;
	[tilespmem:$0xA500] =	vst v63  }
0x26: {  	_ = 	snop  }
0x27: {  	[tilespmem:s22], [sflag:$0x1] =	stream.indirect.gather [hbm4b:s3+s6], $0x20, s21, s6, $0xb8;
	[tilespmem:$0xA500] =	vst v63  }
0x28: {  	_ = 	snop  }
0x29: {  	[tilespmem:s24], [sflag:$0x1] =	stream.indirect.gather [hbm4b:s3+s6], $0x20, s23, s6, $0xb8;
	[tilespmem:$0xA500] =	vst v63  }
0x2a: {  	_ = 	snop  }
0x2b: {  	[tilespmem:s26], [sflag:$0x1] =	stream.indirect.gather [hbm4b:s3+s6], $0x20, s25, s6, $0xb8;
	[tilespmem:$0xA500] =	vst v63  }
0x2c: {  	_ =	swait.ge [sflag:s28], $0x1000  }
0x2d: {  	[sflag:s28] =	ssyncset.done $0x0  }
0x2e: {  	[sflag:s28] =	ssyncadd.s32 $0xFFFFF000  }
0x2f: {  	_ =	swait.ge [sflag:s28], $0x1000  }
0x30: {  	[sflag:s28] =	ssyncset.done $0x0  }
0x31: {  	[sflag:s28] =	ssyncadd.s32 $0xFFFFF000  }
0x32: {  	_ =	swait.ge [sflag:s28], $0x1000  }
0x33: {  	[sflag:s28] =	ssyncset.done $0x0  }
0x34: {  	[sflag:s28] =	ssyncadd.s32 $0xFFFFF000  }
0x35: {  	_ =	swait.ge [sflag:s28], $0x1000  }
0x36: {  	[sflag:s28] =	ssyncset.done $0x0  }
0x37: {  	[sflag:s28] =	ssyncadd.s32 $0xFFFFF000  }
0x38: {  	_ =	swait.ge [sflag:s28], $0x1000  }
0x39: {  	[sflag:s28] =	ssyncset.done $0x0  }
0x3a: {  	[sflag:s28] =	ssyncadd.s32 $0xFFFFF000  }
0x3b: {  	_ =	swait.ge [sflag:s28], $0x1000  }
0x3c: {  	[sflag:s28] =	ssyncset.done $0x0  }
0x3d: {  	[sflag:s28] =	ssyncadd.s32 $0xFFFFF000  }
0x3e: {  	_ =	swait.ge [sflag:s28], $0x1000  }
0x3f: {  	[sflag:s28] =	ssyncset.done $0x0  }
0x40: {  	[sflag:s28] =	ssyncadd.s32 $0xFFFFF000  }
0x41: {  	_ =	swait.ge [sflag:s28], $0x1000  }
0x42: {  	[sflag:s28] =	ssyncset.done $0x0  }
0x43: {  	[sflag:s28] =	ssyncadd.s32 $0xFFFFF000  }
0x44: {  	_ =	swait.ge [sflag:s28], $0x1000  }
0x45: {  	[sflag:s28] =	ssyncset.done $0x0  }
0x46: {  	[sflag:s28] =	ssyncadd.s32 $0xFFFFF000  }
0x47: {  	_ =	swait.ge [sflag:s28], $0x1000  }
0x48: {  	[sflag:s28] =	ssyncset.done $0x0  }
0x49: {  	s31 =	rddreg [dreg:$0x5];
	[sflag:s28] =	ssyncadd.s32 $0xFFFFF000  }
0x4a: {  	[hbm4b:s31+s7] =	stream.strided.scatter [tilespmem:s9], [sflag:$0x2], $0xA000, s29, s7, $0x38;
	[tilespmem:$0xA500] =	vst v63  }
0x4b: {  	s1 =	simm.s32 $0x2800;
	_ =	swait.ge [sflag:s8], $0xA000  }
0x4c: {  	s0 =	simm.s32 $0x1400;
	s4 =	rddreg [dreg:$0x3];
	[sflag:s8] =	ssyncset.done $0x0  }
.LBB2_2:
0x4d: {  	[sflag:s8] =	ssyncadd.s32 $0xFFFF6000;
	s4 =	sadd.s32 s0, s4  }
0x4e: {  	[tilespmem:s2], [sflag:$0x2] =	stream.strided.gather [hbm4b:s4+s6], $0x500, s7, s6, $0x38;
	[tilespmem:$0xA500] =	vst v63  }
0x4f: {  	_ =	swait.ge [sflag:s8], $0x500  }
0x50: {  	[sflag:s8] =	ssyncset.done $0x0  }
0x51: {  	[sflag:s8] =	ssyncadd.s32 $0xFFFFFB00  }
0x52: {  	[tilespmem:s9], [sflag:$0x1] =	stream.indirect.gather [hbm4b:s3+s6], $0x20, s2, s6, $0xb8;
	[tilespmem:$0xA500] =	vst v63  }
0x53: {  	_ = 	snop  }
0x54: {  	[tilespmem:s10], [sflag:$0x1] =	stream.indirect.gather [hbm4b:s3+s6], $0x20, s6, s6, $0xb8;
	[tilespmem:$0xA500] =	vst v63  }
0x55: {  	_ = 	snop  }
0x56: {  	[tilespmem:s12], [sflag:$0x1] =	stream.indirect.gather [hbm4b:s3+s6], $0x20, s11, s6, $0xb8;
	[tilespmem:$0xA500] =	vst v63  }
0x57: {  	_ = 	snop  }
0x58: {  	[tilespmem:s14], [sflag:$0x1] =	stream.indirect.gather [hbm4b:s3+s6], $0x20, s13, s6, $0xb8;
	[tilespmem:$0xA500] =	vst v63  }
0x59: {  	_ = 	snop  }
0x5a: {  	[tilespmem:s16], [sflag:$0x1] =	stream.indirect.gather [hbm4b:s3+s6], $0x20, s15, s6, $0xb8;
	[tilespmem:$0xA500] =	vst v63  }
0x5b: {  	_ = 	snop  }
0x5c: {  	[tilespmem:s18], [sflag:$0x1] =	stream.indirect.gather [hbm4b:s3+s6], $0x20, s17, s6, $0xb8;
	[tilespmem:$0xA500] =	vst v63  }
0x5d: {  	_ = 	snop  }
0x5e: {  	[tilespmem:s20], [sflag:$0x1] =	stream.indirect.gather [hbm4b:s3+s6], $0x20, s19, s6, $0xb8;
	[tilespmem:$0xA500] =	vst v63  }
0x5f: {  	_ = 	snop  }
0x60: {  	[tilespmem:s22], [sflag:$0x1] =	stream.indirect.gather [hbm4b:s3+s6], $0x20, s21, s6, $0xb8;
	[tilespmem:$0xA500] =	vst v63  }
0x61: {  	_ = 	snop  }
0x62: {  	[tilespmem:s24], [sflag:$0x1] =	stream.indirect.gather [hbm4b:s3+s6], $0x20, s23, s6, $0xb8;
	[tilespmem:$0xA500] =	vst v63  }
0x63: {  	_ = 	snop  }
0x64: {  	[tilespmem:s26], [sflag:$0x1] =	stream.indirect.gather [hbm4b:s3+s6], $0x20, s25, s6, $0xb8;
	[tilespmem:$0xA500] =	vst v63  }
0x65: {  	_ =	swait.ge [sflag:s28], $0x1000  }
0x66: {  	[sflag:s28] =	ssyncset.done $0x0  }
0x67: {  	[sflag:s28] =	ssyncadd.s32 $0xFFFFF000  }
0x68: {  	_ =	swait.ge [sflag:s28], $0x1000  }
0x69: {  	[sflag:s28] =	ssyncset.done $0x0  }
0x6a: {  	[sflag:s28] =	ssyncadd.s32 $0xFFFFF000  }
0x6b: {  	_ =	swait.ge [sflag:s28], $0x1000  }
0x6c: {  	[sflag:s28] =	ssyncset.done $0x0  }
0x6d: {  	[sflag:s28] =	ssyncadd.s32 $0xFFFFF000  }
0x6e: {  	_ =	swait.ge [sflag:s28], $0x1000  }
0x6f: {  	[sflag:s28] =	ssyncset.done $0x0  }
0x70: {  	[sflag:s28] =	ssyncadd.s32 $0xFFFFF000  }
0x71: {  	_ =	swait.ge [sflag:s28], $0x1000  }
0x72: {  	[sflag:s28] =	ssyncset.done $0x0  }
0x73: {  	[sflag:s28] =	ssyncadd.s32 $0xFFFFF000  }
0x74: {  	_ =	swait.ge [sflag:s28], $0x1000  }
0x75: {  	[sflag:s28] =	ssyncset.done $0x0  }
0x76: {  	[sflag:s28] =	ssyncadd.s32 $0xFFFFF000  }
0x77: {  	_ =	swait.ge [sflag:s28], $0x1000  }
0x78: {  	[sflag:s28] =	ssyncset.done $0x0  }
0x79: {  	[sflag:s28] =	ssyncadd.s32 $0xFFFFF000  }
0x7a: {  	_ =	swait.ge [sflag:s28], $0x1000  }
0x7b: {  	[sflag:s28] =	ssyncset.done $0x0  }
0x7c: {  	[sflag:s28] =	ssyncadd.s32 $0xFFFFF000  }
0x7d: {  	_ =	swait.ge [sflag:s28], $0x1000  }
0x7e: {  	[sflag:s28] =	ssyncset.done $0x0  }
0x7f: {  	[sflag:s28] =	ssyncadd.s32 $0xFFFFF000  }
0x80: {  	p0 =	sne.s32 s1, $0x5000;
	_ =	swait.ge [sflag:s28], $0x1000  }
.Ltmp0:
0x81: {  	[sflag:s28] =	ssyncset.done $0x0;
	(pc) =	sbr.rel @p0 .LBB2_2-.Ltmp0, $4  }
0x82: {  	s31 =	sadd.s32 $0x28000, s31;
	[sflag:s28] =	ssyncadd.s32 $0xFFFFF000  }
0x83: {  	[hbm4b:s31+s7] =	stream.strided.scatter [tilespmem:s9], [sflag:$0x2], $0xA000, s29, s7, $0x38;
	[tilespmem:$0xA500] =	vst v63  }
0x84: {  	s5 =	smov.u32 s1;
	s1 =	sadd.s32 $0x1400, s1;
	_ =	swait.ge [sflag:s8], $0xA000  }
0x85: {  	s0 =	smov.u32 s5;
	s4 =	rddreg [dreg:$0x3];
	[sflag:s8] =	ssyncset.done $0x0  }
0x86: {  	s0 =	sadd.s32 s0, s4;
	[sflag:s8] =	ssyncadd.s32 $0xFFFF6000  }
0x87: {  	[tilespmem:s2], [sflag:$0x2] =	stream.strided.gather [hbm4b:s0+s6], $0x500, s7, s6, $0x38;
	[tilespmem:$0xA500] =	vst v63  }
0x88: {  	_ =	swait.ge [sflag:s8], $0x500  }
0x89: {  	[sflag:s8] =	ssyncset.done $0x0  }
0x8a: {  	[sflag:s8] =	ssyncadd.s32 $0xFFFFFB00  }
0x8b: {  	[tilespmem:s9], [sflag:$0x1] =	stream.indirect.gather [hbm4b:s3+s6], $0x20, s2, s6, $0xb8;
	[tilespmem:$0xA500] =	vst v63  }
0x8c: {  	_ = 	snop  }
0x8d: {  	[tilespmem:s10], [sflag:$0x1] =	stream.indirect.gather [hbm4b:s3+s6], $0x20, s6, s6, $0xb8;
	[tilespmem:$0xA500] =	vst v63  }
0x8e: {  	_ = 	snop  }
0x8f: {  	[tilespmem:s12], [sflag:$0x1] =	stream.indirect.gather [hbm4b:s3+s6], $0x20, s11, s6, $0xb8;
	[tilespmem:$0xA500] =	vst v63  }
0x90: {  	_ = 	snop  }
0x91: {  	[tilespmem:s14], [sflag:$0x1] =	stream.indirect.gather [hbm4b:s3+s6], $0x20, s13, s6, $0xb8;
	[tilespmem:$0xA500] =	vst v63  }
0x92: {  	_ = 	snop  }
0x93: {  	[tilespmem:s16], [sflag:$0x1] =	stream.indirect.gather [hbm4b:s3+s6], $0x20, s15, s6, $0xb8;
	[tilespmem:$0xA500] =	vst v63  }
0x94: {  	_ = 	snop  }
0x95: {  	[tilespmem:s18], [sflag:$0x1] =	stream.indirect.gather [hbm4b:s3+s6], $0x20, s17, s6, $0xb8;
	[tilespmem:$0xA500] =	vst v63  }
0x96: {  	_ = 	snop  }
0x97: {  	[tilespmem:s20], [sflag:$0x1] =	stream.indirect.gather [hbm4b:s3+s6], $0x20, s19, s6, $0xb8;
	[tilespmem:$0xA500] =	vst v63  }
0x98: {  	_ = 	snop  }
0x99: {  	[tilespmem:s22], [sflag:$0x1] =	stream.indirect.gather [hbm4b:s3+s6], $0x20, s21, s6, $0xb8;
	[tilespmem:$0xA500] =	vst v63  }
0x9a: {  	_ = 	snop  }
0x9b: {  	[tilespmem:s24], [sflag:$0x1] =	stream.indirect.gather [hbm4b:s3+s6], $0x20, s23, s6, $0xb8;
	[tilespmem:$0xA500] =	vst v63  }
0x9c: {  	_ = 	snop  }
0x9d: {  	[tilespmem:s26], [sflag:$0x1] =	stream.indirect.gather [hbm4b:s3+s6], $0x20, s25, s6, $0xb8;
	[tilespmem:$0xA500] =	vst v63  }
0x9e: {  	_ =	swait.ge [sflag:s28], $0x1000  }
0x9f: {  	[sflag:s28] =	ssyncset.done $0x0  }
0xa0: {  	[sflag:s28] =	ssyncadd.s32 $0xFFFFF000  }
0xa1: {  	_ =	swait.ge [sflag:s28], $0x1000  }
0xa2: {  	[sflag:s28] =	ssyncset.done $0x0  }
0xa3: {  	[sflag:s28] =	ssyncadd.s32 $0xFFFFF000  }
0xa4: {  	_ =	swait.ge [sflag:s28], $0x1000  }
0xa5: {  	[sflag:s28] =	ssyncset.done $0x0  }
0xa6: {  	[sflag:s28] =	ssyncadd.s32 $0xFFFFF000  }
0xa7: {  	_ =	swait.ge [sflag:s28], $0x1000  }
0xa8: {  	[sflag:s28] =	ssyncset.done $0x0  }
0xa9: {  	[sflag:s28] =	ssyncadd.s32 $0xFFFFF000  }
0xaa: {  	_ =	swait.ge [sflag:s28], $0x1000  }
0xab: {  	[sflag:s28] =	ssyncset.done $0x0  }
0xac: {  	[sflag:s28] =	ssyncadd.s32 $0xFFFFF000  }
0xad: {  	_ =	swait.ge [sflag:s28], $0x1000  }
0xae: {  	[sflag:s28] =	ssyncset.done $0x0  }
0xaf: {  	[sflag:s28] =	ssyncadd.s32 $0xFFFFF000  }
0xb0: {  	_ =	swait.ge [sflag:s28], $0x1000  }
0xb1: {  	[sflag:s28] =	ssyncset.done $0x0  }
0xb2: {  	[sflag:s28] =	ssyncadd.s32 $0xFFFFF000  }
0xb3: {  	_ =	swait.ge [sflag:s28], $0x1000  }
0xb4: {  	[sflag:s28] =	ssyncset.done $0x0  }
0xb5: {  	[sflag:s28] =	ssyncadd.s32 $0xFFFFF000  }
0xb6: {  	_ =	swait.ge [sflag:s28], $0x1000  }
0xb7: {  	[sflag:s28] =	ssyncset.done $0x0  }
0xb8: {  	[sflag:s28] =	ssyncadd.s32 $0xFFFFF000  }
0xb9: {  	_ =	swait.ge [sflag:s28], $0x1000  }
0xba: {  	[sflag:s28] =	ssyncset.done $0x0  }
0xbb: {  	s5 =	sadd.s32 $0x28000, s31;
	[sflag:s28] =	ssyncadd.s32 $0xFFFFF000  }
0xbc: {  	[hbm4b:s5+s7] =	stream.strided.scatter [tilespmem:s9], [sflag:$0x2], $0xA000, s29, s7, $0x38;
	[tilespmem:$0xA500] =	vst v63  }
0xbd: {  	_ =	swait.ge [sflag:s8], $0xA000  }
0xbe: {  	s30 =	sadd.s32 $0x1, s30;
	s31 =	rddreg [dreg:$0x4]  }
0xbf: {  	p0 =	sne.s32 s30, s31  }
.Ltmp1:
0xc0: {  	_ = 	snop;
	(pc) =	sbr.rel @p0 .LBB2_1-.Ltmp1, $3  }
0xc1: {  	_ =	sdelay $0x1  }
0xc2: {  	[sflag:s8] =	ssyncset.done $0x0  }
0xc3: {  	[sflag:s8] =	ssyncadd.s32 $0xFFFF6000  }
0xc4: {  	_ =	sfence.sel $0x180000  }
0xc5: {  	[bflag:$0x0] =	sbarrier.arrive $0xFFFF  }
0xc6: {  	_ =	strace $0x90000047  }
0xc7: {  	s0 =	stileid.u32;
	[bflag:$0x2] =	sbarrier.arrive $0xFFFF  }
0xc8: {  	p0 =	sne.s32 s0, $0x0;
	s0 =	rddreg [dreg:$0x2]  }
0xc9: {  	s0 =	sadd.s32 @!p0 $0x100000, s0  }
0xca: {  	[sflag:s0] =	ssyncadd.tile.s32 @!p0 $0x1;
	_ =	shalt  }
.Lfunc_end2:
_tile_overlayer_lowered:
.L_overlay_start_2:
0xcb: {  	(tag) =	ssettag $0x2  }
0xcc: {  	s0 =	rddreg [dreg:$0x0];
	s2 =	stileid.u32  }
0xcd: {  	s1 =	rddreg [dreg:$0x1];
	p0 =	sne.s32 s2, $0x0  }
0xce: {  	s3 =	rddreg [dreg:$0x2];
	[bflag:$0x3] =	sbarrier.arrive $0xFFFF;
	s2 =	simm.s32 @!p0 $0x1C02  }
0xcf: {  	[timem:s3], [sflag:s2] =	dma.local @!p0 [hbm:s0], s1  }
0xd0: {  	s0 =	simm.s32 @!p0 $0x2  }
0xd1: {  	_ =	swait.ge @!p0 [sflag:s0], s1  }
0xd2: {  	s1 =	ssub.s32 @!p0 $0x0, s1;
	[sflag:s0] =	ssyncset.done @!p0 $0x0  }
0xd3: {  	[sflag:s0] =	ssyncadd.s32 @!p0 s1  }
0xd4: {  	[bflag:$0x3] =	sbarrier.arrive $0xFFFF  }
0xd5: {  	_ =	shalt  }

</sc_bundles>
